<compile_context>
chip_gen: v7x
topology: tpu7x:2x2x1
jax: 0.10.2.dev20260603
libtpu: 0.0.44.dev20260713+nightly
codegen_flags: <defaults>
</compile_context>

<pallas_src>
import functools

import jax
import jax.numpy as jnp
from jax import lax
from jax.experimental import pallas as pl
from jax.experimental.pallas import tpu as pltpu
from jax.experimental.pallas import tpu_sc as plsc

VOCAB = 1000000
EMBED = 64

_NC = 2
_NS = 16
_NW = _NC * _NS

_C = 512
_CB = 16384 // _C


def _gather_kernel_body(u_per_w, idxT_hbm, table_hbm, out_hbm,
                        idx_v0, idx_v1, rows_v0, rows_v1,
                        isem0, isem1, gsem0, gsem1, osem0, osem1):
    wid = lax.axis_index("s") * _NC + lax.axis_index("c")
    ubase = wid * u_per_w
    idx_v = (idx_v0, idx_v1)
    rows_v = (rows_v0, rows_v1)
    isem = (isem0, isem1)
    gsem = (gsem0, gsem1)
    osem = (osem0, osem1)

    def unit_sc(a):
        return a >> 5, (a & (_CB - 1)) * _C

    def fire_idx(a, b):
        s, c = unit_sc(a)
        pltpu.async_copy(idxT_hbm.at[s, pl.ds(c, _C)], idx_v[b], isem[b])

    def drain_idx(b):
        pltpu.make_async_copy(
            idxT_hbm.at[0, pl.ds(0, _C)], idx_v[b], isem[b]).wait()

    def fire_gather(b):
        pltpu.async_copy(table_hbm.at[idx_v[b]], rows_v[b], gsem[b])

    def drain_gather(b):
        pltpu.make_async_copy(
            table_hbm.at[pl.ds(0, _C)], rows_v[b], gsem[b]).wait()

    def fire_out(a, b):
        s, c = unit_sc(a)
        pltpu.async_copy(rows_v[b], out_hbm.at[s, pl.ds(c, _C)], osem[b])

    def drain_out(b):
        pltpu.make_async_copy(
            rows_v[b], out_hbm.at[0, pl.ds(0, _C)], osem[b]).wait()

    fire_idx(ubase + 0, 0)
    fire_idx(ubase + 1, 1)
    drain_idx(0)
    fire_gather(0)

    def step(u, with_drain_out, with_fire_idx):
        b = u % 2
        nb = 1 - b
        a = ubase + u
        drain_idx(b)
        drain_gather(nb)
        fire_gather(b)
        if with_fire_idx:
            fire_idx(a + 1, nb)
        if with_drain_out:
            drain_out(nb)
        fire_out(a - 1, nb)

    step(1, False, True)
    step(2, False, True)

    def pair(m, carry):
        for t in range(2):
            u = 3 + 2 * m + t
            b = (3 + t) % 2
            nb = 1 - b
            a = ubase + u
            drain_idx(b)
            drain_gather(nb)
            fire_gather(b)
            fire_idx(a + 1, nb)
            drain_out(nb)
            fire_out(a - 1, nb)
        return carry

    lax.fori_loop(0, (u_per_w - 4) // 2, pair, 0)

    step(u_per_w - 1, True, False)

    bl = (u_per_w - 1) % 2
    drain_gather(bl)
    drain_out(bl)
    fire_out(ubase + u_per_w - 1, bl)
    drain_out(bl)
    drain_out(1 - bl)


def _tc_transpose_body(x_ref, o_ref):
    o_ref[0] = x_ref[0].T


def kernel(idx, table):
    nb, ns = idx.shape
    idxT = idx.T.astype(jnp.int32)
    units = ns * (nb // _C)
    u_per_w = units // _NW

    mesh = plsc.VectorSubcoreMesh(core_axis_name="c", subcore_axis_name="s")
    k = functools.partial(
        pl.kernel,
        mesh=mesh,
        out_type=jax.ShapeDtypeStruct((ns, nb, EMBED), jnp.float32),
        scratch_types=[
            pltpu.VMEM((_C,), jnp.int32),
            pltpu.VMEM((_C,), jnp.int32),
            pltpu.VMEM((_C, EMBED), jnp.float32),
            pltpu.VMEM((_C, EMBED), jnp.float32),
            pltpu.SemaphoreType.DMA,
            pltpu.SemaphoreType.DMA,
            pltpu.SemaphoreType.DMA,
            pltpu.SemaphoreType.DMA,
            pltpu.SemaphoreType.DMA,
            pltpu.SemaphoreType.DMA,
        ],
        compiler_params=pltpu.CompilerParams(use_tc_tiling_on_sc=False),
    )(functools.partial(_gather_kernel_body, u_per_w))

    out2 = k(idxT, table)

    outT = pl.pallas_call(
        _tc_transpose_body,
        grid=(ns, nb // 8192),
        in_specs=[pl.BlockSpec((1, 8192, EMBED), lambda s, j: (s, j, 0))],
        out_specs=pl.BlockSpec((1, EMBED, 8192), lambda s, j: (s, 0, j)),
        out_shape=jax.ShapeDtypeStruct((ns, EMBED, nb), jnp.float32),
    )(out2)

    return outT.transpose(2, 0, 1)

# --- scband reference (transcript-rebuilt; emitter-appended) ---
"""Pipeline reference for scband-recon-model-68143951118806 (READ-ONLY COPY).

The authoritative reference and input builder live on the scoring server;
editing this copy changes nothing except your own understanding.
"""

import jax, jax.numpy as jnp
import numpy as np

VOCAB = 1000000
EMBED = 64

def setup_inputs(seed: int = 0) -> dict:
    key = jax.random.key(seed)
    k_idx, k_w = jax.random.split(key)
    idx = jax.random.randint(k_idx, (16384, 50), 0, VOCAB, dtype=jnp.int64 if jax.config.jax_enable_x64 else jnp.int32)
    table = jax.random.normal(k_w, (VOCAB, EMBED), dtype=jnp.float32) * 0.01
    return {"idx": idx, "table": table}

def reference(idx, table):
    # nn.Embedding forward: gather rows of table by idx
    embeddings = jnp.take(table, idx, axis=0)
    return embeddings

if __name__ == "__main__":
    import jax
    _d = setup_inputs()
    print(jax.jit(kernel)(*tuple(_d.values())))

</pallas_src>

<mosaic_0001>
#map = affine_map<(d0, d1) -> (0, 0)>
#map1 = affine_map<(d0, d1) -> (0, 0, 0)>
module attributes {stable_mosaic.version = 14 : i64} {
  func.func @_gather_kernel_body(%arg0: i32, %arg1: i32, %arg2: memref<50x16384xi32, #tpu.memory_space<hbm>>, %arg3: memref<1000000x64xf32, #tpu.memory_space<hbm>>, %arg4: memref<50x16384x64xf32, #tpu.memory_space<hbm>>, %arg5: memref<512xi32, #tpu.memory_space<vmem>>, %arg6: memref<512xi32, #tpu.memory_space<vmem>>, %arg7: memref<512x64xf32, #tpu.memory_space<vmem>>, %arg8: memref<512x64xf32, #tpu.memory_space<vmem>>, %arg9: memref<!tpu.dma_semaphore, #tpu.memory_space<semaphore_mem>>, %arg10: memref<!tpu.dma_semaphore, #tpu.memory_space<semaphore_mem>>, %arg11: memref<!tpu.dma_semaphore, #tpu.memory_space<semaphore_mem>>, %arg12: memref<!tpu.dma_semaphore, #tpu.memory_space<semaphore_mem>>, %arg13: memref<!tpu.dma_semaphore, #tpu.memory_space<semaphore_mem>>, %arg14: memref<!tpu.dma_semaphore, #tpu.memory_space<semaphore_mem>>) attributes {dimension_semantics = [#tpu.dimension_semantics<core_parallel>, #tpu.dimension_semantics<subcore_parallel>], iteration_bounds = array<i64: 2, 16>, scalar_prefetch = 0 : i64, scratch_operands = 10 : i64, tpu.core_type = #tpu.core_type<sc_vector_subcore>, window_params = [{transform_indices = #map}, {transform_indices = #map}, {transform_indices = #map1}]} {
    %mul3A = arith.constant 2 : i32
    %mul3A_0 = arith.muli %arg1, %mul3A : i32
    %add3A = arith.addi %mul3A_0, %arg0 : i32
    %mul3A_1 = arith.constant 50 : i32
    %mul3A_2 = arith.muli %add3A, %mul3A_1 : i32
    %add3A_3 = arith.constant 0 : i32
    %add3A_4 = arith.addi %mul3A_2, %add3A_3 : i32
    %shift_right_arithmetic3A = arith.constant 5 : i32
    %shift_right_arithmetic3A_5 = arith.shrsi %add3A_4, %shift_right_arithmetic3A : i32
    %and3A = arith.constant 31 : i32
    %and3A_6 = arith.andi %add3A_4, %and3A : i32
    %mul3A_7 = arith.constant 512 : i32
    %mul3A_8 = arith.muli %and3A_6, %mul3A_7 : i32
    %dma_start3A = tpu.memref_slice %arg2[%shift_right_arithmetic3A_5, %mul3A_8] : memref<50x16384xi32, #tpu.memory_space<hbm>> -> memref<1x512xi32, #tpu.memory_space<hbm>>
    %dma_start3A_9 = tpu.memref_squeeze %dma_start3A : memref<1x512xi32, #tpu.memory_space<hbm>> -> memref<512xi32, #tpu.memory_space<hbm>>
    %dma_start3A_10 = tpu.memref_slice %arg2[%shift_right_arithmetic3A_5, %mul3A_8] : memref<50x16384xi32, #tpu.memory_space<hbm>> -> memref<1x512xi32, #tpu.memory_space<hbm>>
    %dma_start3A_11 = tpu.memref_squeeze %dma_start3A_10 : memref<1x512xi32, #tpu.memory_space<hbm>> -> memref<512xi32, #tpu.memory_space<hbm>>
    tpu.enqueue_dma source(%dma_start3A_11 : memref<512xi32, #tpu.memory_space<hbm>>) target(%arg5 : memref<512xi32, #tpu.memory_space<vmem>>) target_semaphore(%arg9 : memref<!tpu.dma_semaphore, #tpu.memory_space<semaphore_mem>>)
    %add3A_12 = arith.constant 1 : i32
    %add3A_13 = arith.addi %mul3A_2, %add3A_12 : i32
    %shift_right_arithmetic3A_14 = arith.constant 5 : i32
    %shift_right_arithmetic3A_15 = arith.shrsi %add3A_13, %shift_right_arithmetic3A_14 : i32
    %and3A_16 = arith.constant 31 : i32
    %and3A_17 = arith.andi %add3A_13, %and3A_16 : i32
    %mul3A_18 = arith.constant 512 : i32
    %mul3A_19 = arith.muli %and3A_17, %mul3A_18 : i32
    %dma_start3A_20 = tpu.memref_slice %arg2[%shift_right_arithmetic3A_15, %mul3A_19] : memref<50x16384xi32, #tpu.memory_space<hbm>> -> memref<1x512xi32, #tpu.memory_space<hbm>>
    %dma_start3A_21 = tpu.memref_squeeze %dma_start3A_20 : memref<1x512xi32, #tpu.memory_space<hbm>> -> memref<512xi32, #tpu.memory_space<hbm>>
    %dma_start3A_22 = tpu.memref_slice %arg2[%shift_right_arithmetic3A_15, %mul3A_19] : memref<50x16384xi32, #tpu.memory_space<hbm>> -> memref<1x512xi32, #tpu.memory_space<hbm>>
    %dma_start3A_23 = tpu.memref_squeeze %dma_start3A_22 : memref<1x512xi32, #tpu.memory_space<hbm>> -> memref<512xi32, #tpu.memory_space<hbm>>
    tpu.enqueue_dma source(%dma_start3A_23 : memref<512xi32, #tpu.memory_space<hbm>>) target(%arg6 : memref<512xi32, #tpu.memory_space<vmem>>) target_semaphore(%arg10 : memref<!tpu.dma_semaphore, #tpu.memory_space<semaphore_mem>>)
    %dma_wait3A = arith.constant 0 : i32
    %dma_wait3A_24 = arith.constant 0 : i32
    %dma_wait3A_25 = tpu.memref_slice %arg2[%dma_wait3A, %dma_wait3A_24] : memref<50x16384xi32, #tpu.memory_space<hbm>> -> memref<1x512xi32, #tpu.memory_space<hbm>>
    %dma_wait3A_26 = tpu.memref_squeeze %dma_wait3A_25 : memref<1x512xi32, #tpu.memory_space<hbm>> -> memref<512xi32, #tpu.memory_space<hbm>>
    %dma_wait3A_27 = arith.constant 0 : i32
    %dma_wait3A_28 = tpu.memref_slice %arg2[%dma_wait3A, %dma_wait3A_27] : memref<50x16384xi32, #tpu.memory_space<hbm>> -> memref<1x512xi32, #tpu.memory_space<hbm>>
    %dma_wait3A_29 = tpu.memref_squeeze %dma_wait3A_28 : memref<1x512xi32, #tpu.memory_space<hbm>> -> memref<512xi32, #tpu.memory_space<hbm>>
    tpu.wait_dma2 semaphore(%arg9 : memref<!tpu.dma_semaphore, #tpu.memory_space<semaphore_mem>>) src(%dma_wait3A_29 : memref<512xi32, #tpu.memory_space<hbm>>) dst(%arg5 : memref<512xi32, #tpu.memory_space<vmem>>)
    %dma_start3A_30 = arith.constant 0 : i32
    %dma_start3A_31 = arith.constant 0 : i32
    %dma_start3A_32 = tpu.memref_slice %arg3[%dma_start3A_30, %dma_start3A_31] : memref<1000000x64xf32, #tpu.memory_space<hbm>> -> memref<1000000x64xf32, #tpu.memory_space<hbm>>
    tpu.enqueue_indirect_dma source(%dma_start3A_32 : memref<1000000x64xf32, #tpu.memory_space<hbm>>) target(%arg7 : memref<512x64xf32, #tpu.memory_space<vmem>>) offsets(%arg5 : memref<512xi32, #tpu.memory_space<vmem>>) semaphore(%arg11 : memref<!tpu.dma_semaphore, #tpu.memory_space<semaphore_mem>>)
    %add3A_33 = arith.constant 1 : i32
    %add3A_34 = arith.addi %mul3A_2, %add3A_33 : i32
    %dma_wait3A_35 = arith.constant 0 : i32
    %dma_wait3A_36 = arith.constant 0 : i32
    %dma_wait3A_37 = tpu.memref_slice %arg2[%dma_wait3A_35, %dma_wait3A_36] : memref<50x16384xi32, #tpu.memory_space<hbm>> -> memref<1x512xi32, #tpu.memory_space<hbm>>
    %dma_wait3A_38 = tpu.memref_squeeze %dma_wait3A_37 : memref<1x512xi32, #tpu.memory_space<hbm>> -> memref<512xi32, #tpu.memory_space<hbm>>
    %dma_wait3A_39 = arith.constant 0 : i32
    %dma_wait3A_40 = tpu.memref_slice %arg2[%dma_wait3A_35, %dma_wait3A_39] : memref<50x16384xi32, #tpu.memory_space<hbm>> -> memref<1x512xi32, #tpu.memory_space<hbm>>
    %dma_wait3A_41 = tpu.memref_squeeze %dma_wait3A_40 : memref<1x512xi32, #tpu.memory_space<hbm>> -> memref<512xi32, #tpu.memory_space<hbm>>
    tpu.wait_dma2 semaphore(%arg10 : memref<!tpu.dma_semaphore, #tpu.memory_space<semaphore_mem>>) src(%dma_wait3A_41 : memref<512xi32, #tpu.memory_space<hbm>>) dst(%arg6 : memref<512xi32, #tpu.memory_space<vmem>>)
    %dma_wait3A_42 = arith.constant 0 : i32
    %dma_wait3A_43 = arith.constant 0 : i32
    %dma_wait3A_44 = tpu.memref_slice %arg3[%dma_wait3A_42, %dma_wait3A_43] : memref<1000000x64xf32, #tpu.memory_space<hbm>> -> memref<512x64xf32, #tpu.memory_space<hbm>>
    %dma_wait3A_45 = arith.constant 0 : i32
    %dma_wait3A_46 = arith.constant 0 : i32
    %dma_wait3A_47 = tpu.memref_slice %arg3[%dma_wait3A_45, %dma_wait3A_46] : memref<1000000x64xf32, #tpu.memory_space<hbm>> -> memref<512x64xf32, #tpu.memory_space<hbm>>
    tpu.wait_dma2 semaphore(%arg11 : memref<!tpu.dma_semaphore, #tpu.memory_space<semaphore_mem>>) src(%dma_wait3A_47 : memref<512x64xf32, #tpu.memory_space<hbm>>) dst(%arg7 : memref<512x64xf32, #tpu.memory_space<vmem>>)
    %dma_start3A_48 = arith.constant 0 : i32
    %dma_start3A_49 = arith.constant 0 : i32
    %dma_start3A_50 = tpu.memref_slice %arg3[%dma_start3A_48, %dma_start3A_49] : memref<1000000x64xf32, #tpu.memory_space<hbm>> -> memref<1000000x64xf32, #tpu.memory_space<hbm>>
    tpu.enqueue_indirect_dma source(%dma_start3A_50 : memref<1000000x64xf32, #tpu.memory_space<hbm>>) target(%arg8 : memref<512x64xf32, #tpu.memory_space<vmem>>) offsets(%arg6 : memref<512xi32, #tpu.memory_space<vmem>>) semaphore(%arg12 : memref<!tpu.dma_semaphore, #tpu.memory_space<semaphore_mem>>)
    %add3A_51 = arith.constant 1 : i32
    %add3A_52 = arith.addi %add3A_34, %add3A_51 : i32
    %shift_right_arithmetic3A_53 = arith.constant 5 : i32
    %shift_right_arithmetic3A_54 = arith.shrsi %add3A_52, %shift_right_arithmetic3A_53 : i32
    %and3A_55 = arith.constant 31 : i32
    %and3A_56 = arith.andi %add3A_52, %and3A_55 : i32
    %mul3A_57 = arith.constant 512 : i32
    %mul3A_58 = arith.muli %and3A_56, %mul3A_57 : i32
    %dma_start3A_59 = tpu.memref_slice %arg2[%shift_right_arithmetic3A_54, %mul3A_58] : memref<50x16384xi32, #tpu.memory_space<hbm>> -> memref<1x512xi32, #tpu.memory_space<hbm>>
    %dma_start3A_60 = tpu.memref_squeeze %dma_start3A_59 : memref<1x512xi32, #tpu.memory_space<hbm>> -> memref<512xi32, #tpu.memory_space<hbm>>
    %dma_start3A_61 = tpu.memref_slice %arg2[%shift_right_arithmetic3A_54, %mul3A_58] : memref<50x16384xi32, #tpu.memory_space<hbm>> -> memref<1x512xi32, #tpu.memory_space<hbm>>
    %dma_start3A_62 = tpu.memref_squeeze %dma_start3A_61 : memref<1x512xi32, #tpu.memory_space<hbm>> -> memref<512xi32, #tpu.memory_space<hbm>>
    tpu.enqueue_dma source(%dma_start3A_62 : memref<512xi32, #tpu.memory_space<hbm>>) target(%arg5 : memref<512xi32, #tpu.memory_space<vmem>>) target_semaphore(%arg9 : memref<!tpu.dma_semaphore, #tpu.memory_space<semaphore_mem>>)
    %sub3A = arith.constant 1 : i32
    %sub3A_63 = arith.subi %add3A_34, %sub3A : i32
    %shift_right_arithmetic3A_64 = arith.constant 5 : i32
    %shift_right_arithmetic3A_65 = arith.shrsi %sub3A_63, %shift_right_arithmetic3A_64 : i32
    %and3A_66 = arith.constant 31 : i32
    %and3A_67 = arith.andi %sub3A_63, %and3A_66 : i32
    %mul3A_68 = arith.constant 512 : i32
    %mul3A_69 = arith.muli %and3A_67, %mul3A_68 : i32
    %dma_start3A_70 = arith.constant 0 : i32
    %dma_start3A_71 = tpu.memref_slice %arg4[%shift_right_arithmetic3A_65, %mul3A_69, %dma_start3A_70] : memref<50x16384x64xf32, #tpu.memory_space<hbm>> -> memref<1x512x64xf32, #tpu.memory_space<hbm>>
    %dma_start3A_72 = tpu.memref_squeeze %dma_start3A_71 : memref<1x512x64xf32, #tpu.memory_space<hbm>> -> memref<512x64xf32, #tpu.memory_space<hbm>>
    %dma_start3A_73 = arith.constant 0 : i32
    %dma_start3A_74 = tpu.memref_slice %arg4[%shift_right_arithmetic3A_65, %mul3A_69, %dma_start3A_73] : memref<50x16384x64xf32, #tpu.memory_space<hbm>> -> memref<1x512x64xf32, #tpu.memory_space<hbm>>
    %dma_start3A_75 = tpu.memref_squeeze %dma_start3A_74 : memref<1x512x64xf32, #tpu.memory_space<hbm>> -> memref<512x64xf32, #tpu.memory_space<hbm>>
    tpu.enqueue_dma source(%arg7 : memref<512x64xf32, #tpu.memory_space<vmem>>) target(%dma_start3A_75 : memref<512x64xf32, #tpu.memory_space<hbm>>) target_semaphore(%arg13 : memref<!tpu.dma_semaphore, #tpu.memory_space<semaphore_mem>>)
    %add3A_76 = arith.constant 2 : i32
    %add3A_77 = arith.addi %mul3A_2, %add3A_76 : i32
    %dma_wait3A_78 = arith.constant 0 : i32
    %dma_wait3A_79 = arith.constant 0 : i32
    %dma_wait3A_80 = tpu.memref_slice %arg2[%dma_wait3A_78, %dma_wait3A_79] : memref<50x16384xi32, #tpu.memory_space<hbm>> -> memref<1x512xi32, #tpu.memory_space<hbm>>
    %dma_wait3A_81 = tpu.memref_squeeze %dma_wait3A_80 : memref<1x512xi32, #tpu.memory_space<hbm>> -> memref<512xi32, #tpu.memory_space<hbm>>
    %dma_wait3A_82 = arith.constant 0 : i32
    %dma_wait3A_83 = tpu.memref_slice %arg2[%dma_wait3A_78, %dma_wait3A_82] : memref<50x16384xi32, #tpu.memory_space<hbm>> -> memref<1x512xi32, #tpu.memory_space<hbm>>
    %dma_wait3A_84 = tpu.memref_squeeze %dma_wait3A_83 : memref<1x512xi32, #tpu.memory_space<hbm>> -> memref<512xi32, #tpu.memory_space<hbm>>
    tpu.wait_dma2 semaphore(%arg9 : memref<!tpu.dma_semaphore, #tpu.memory_space<semaphore_mem>>) src(%dma_wait3A_84 : memref<512xi32, #tpu.memory_space<hbm>>) dst(%arg5 : memref<512xi32, #tpu.memory_space<vmem>>)
    %dma_wait3A_85 = arith.constant 0 : i32
    %dma_wait3A_86 = arith.constant 0 : i32
    %dma_wait3A_87 = tpu.memref_slice %arg3[%dma_wait3A_85, %dma_wait3A_86] : memref<1000000x64xf32, #tpu.memory_space<hbm>> -> memref<512x64xf32, #tpu.memory_space<hbm>>
    %dma_wait3A_88 = arith.constant 0 : i32
    %dma_wait3A_89 = arith.constant 0 : i32
    %dma_wait3A_90 = tpu.memref_slice %arg3[%dma_wait3A_88, %dma_wait3A_89] : memref<1000000x64xf32, #tpu.memory_space<hbm>> -> memref<512x64xf32, #tpu.memory_space<hbm>>
    tpu.wait_dma2 semaphore(%arg12 : memref<!tpu.dma_semaphore, #tpu.memory_space<semaphore_mem>>) src(%dma_wait3A_90 : memref<512x64xf32, #tpu.memory_space<hbm>>) dst(%arg8 : memref<512x64xf32, #tpu.memory_space<vmem>>)
    %dma_start3A_91 = arith.constant 0 : i32
    %dma_start3A_92 = arith.constant 0 : i32
    %dma_start3A_93 = tpu.memref_slice %arg3[%dma_start3A_91, %dma_start3A_92] : memref<1000000x64xf32, #tpu.memory_space<hbm>> -> memref<1000000x64xf32, #tpu.memory_space<hbm>>
    tpu.enqueue_indirect_dma source(%dma_start3A_93 : memref<1000000x64xf32, #tpu.memory_space<hbm>>) target(%arg7 : memref<512x64xf32, #tpu.memory_space<vmem>>) offsets(%arg5 : memref<512xi32, #tpu.memory_space<vmem>>) semaphore(%arg11 : memref<!tpu.dma_semaphore, #tpu.memory_space<semaphore_mem>>)
    %add3A_94 = arith.constant 1 : i32
    %add3A_95 = arith.addi %add3A_77, %add3A_94 : i32
    %shift_right_arithmetic3A_96 = arith.constant 5 : i32
    %shift_right_arithmetic3A_97 = arith.shrsi %add3A_95, %shift_right_arithmetic3A_96 : i32
    %and3A_98 = arith.constant 31 : i32
    %and3A_99 = arith.andi %add3A_95, %and3A_98 : i32
    %mul3A_100 = arith.constant 512 : i32
    %mul3A_101 = arith.muli %and3A_99, %mul3A_100 : i32
    %dma_start3A_102 = tpu.memref_slice %arg2[%shift_right_arithmetic3A_97, %mul3A_101] : memref<50x16384xi32, #tpu.memory_space<hbm>> -> memref<1x512xi32, #tpu.memory_space<hbm>>
    %dma_start3A_103 = tpu.memref_squeeze %dma_start3A_102 : memref<1x512xi32, #tpu.memory_space<hbm>> -> memref<512xi32, #tpu.memory_space<hbm>>
    %dma_start3A_104 = tpu.memref_slice %arg2[%shift_right_arithmetic3A_97, %mul3A_101] : memref<50x16384xi32, #tpu.memory_space<hbm>> -> memref<1x512xi32, #tpu.memory_space<hbm>>
    %dma_start3A_105 = tpu.memref_squeeze %dma_start3A_104 : memref<1x512xi32, #tpu.memory_space<hbm>> -> memref<512xi32, #tpu.memory_space<hbm>>
    tpu.enqueue_dma source(%dma_start3A_105 : memref<512xi32, #tpu.memory_space<hbm>>) target(%arg6 : memref<512xi32, #tpu.memory_space<vmem>>) target_semaphore(%arg10 : memref<!tpu.dma_semaphore, #tpu.memory_space<semaphore_mem>>)
    %sub3A_106 = arith.constant 1 : i32
    %sub3A_107 = arith.subi %add3A_77, %sub3A_106 : i32
    %shift_right_arithmetic3A_108 = arith.constant 5 : i32
    %shift_right_arithmetic3A_109 = arith.shrsi %sub3A_107, %shift_right_arithmetic3A_108 : i32
    %and3A_110 = arith.constant 31 : i32
    %and3A_111 = arith.andi %sub3A_107, %and3A_110 : i32
    %mul3A_112 = arith.constant 512 : i32
    %mul3A_113 = arith.muli %and3A_111, %mul3A_112 : i32
    %dma_start3A_114 = arith.constant 0 : i32
    %dma_start3A_115 = tpu.memref_slice %arg4[%shift_right_arithmetic3A_109, %mul3A_113, %dma_start3A_114] : memref<50x16384x64xf32, #tpu.memory_space<hbm>> -> memref<1x512x64xf32, #tpu.memory_space<hbm>>
    %dma_start3A_116 = tpu.memref_squeeze %dma_start3A_115 : memref<1x512x64xf32, #tpu.memory_space<hbm>> -> memref<512x64xf32, #tpu.memory_space<hbm>>
    %dma_start3A_117 = arith.constant 0 : i32
    %dma_start3A_118 = tpu.memref_slice %arg4[%shift_right_arithmetic3A_109, %mul3A_113, %dma_start3A_117] : memref<50x16384x64xf32, #tpu.memory_space<hbm>> -> memref<1x512x64xf32, #tpu.memory_space<hbm>>
    %dma_start3A_119 = tpu.memref_squeeze %dma_start3A_118 : memref<1x512x64xf32, #tpu.memory_space<hbm>> -> memref<512x64xf32, #tpu.memory_space<hbm>>
    tpu.enqueue_dma source(%arg8 : memref<512x64xf32, #tpu.memory_space<vmem>>) target(%dma_start3A_119 : memref<512x64xf32, #tpu.memory_space<hbm>>) target_semaphore(%arg14 : memref<!tpu.dma_semaphore, #tpu.memory_space<semaphore_mem>>)
    %scan3A = arith.constant 0 : i32
    %scan3A_120 = arith.constant 0 : i32
    %scan3A_121 = arith.constant 23 : i32
    %scan3A_122 = arith.addi %scan3A_120, %scan3A_121 : i32
    %scan3A_123 = arith.constant 1 : i32
    scf.for %scan3A_215 = %scan3A_120 to %scan3A_122 step %scan3A_123  : i32 {
      %mul3A_216 = arith.constant 2 : i32
      %mul3A_217 = arith.muli %mul3A_216, %scan3A_215 : i32
      %add3A_218 = arith.constant 3 : i32
      %add3A_219 = arith.addi %add3A_218, %mul3A_217 : i32
      %add3A_220 = arith.constant 0 : i32
      %add3A_221 = arith.addi %add3A_219, %add3A_220 : i32
      %add3A_222 = arith.addi %mul3A_2, %add3A_221 : i32
      %dma_wait3A_223 = arith.constant 0 : i32
      %dma_wait3A_224 = arith.constant 0 : i32
      %dma_wait3A_225 = tpu.memref_slice %arg2[%dma_wait3A_223, %dma_wait3A_224] : memref<50x16384xi32, #tpu.memory_space<hbm>> -> memref<1x512xi32, #tpu.memory_space<hbm>>
      %dma_wait3A_226 = tpu.memref_squeeze %dma_wait3A_225 : memref<1x512xi32, #tpu.memory_space<hbm>> -> memref<512xi32, #tpu.memory_space<hbm>>
      %dma_wait3A_227 = arith.constant 0 : i32
      %dma_wait3A_228 = tpu.memref_slice %arg2[%dma_wait3A_223, %dma_wait3A_227] : memref<50x16384xi32, #tpu.memory_space<hbm>> -> memref<1x512xi32, #tpu.memory_space<hbm>>
      %dma_wait3A_229 = tpu.memref_squeeze %dma_wait3A_228 : memref<1x512xi32, #tpu.memory_space<hbm>> -> memref<512xi32, #tpu.memory_space<hbm>>
      tpu.wait_dma2 semaphore(%arg10 : memref<!tpu.dma_semaphore, #tpu.memory_space<semaphore_mem>>) src(%dma_wait3A_229 : memref<512xi32, #tpu.memory_space<hbm>>) dst(%arg6 : memref<512xi32, #tpu.memory_space<vmem>>)
      %dma_wait3A_230 = arith.constant 0 : i32
      %dma_wait3A_231 = arith.constant 0 : i32
      %dma_wait3A_232 = tpu.memref_slice %arg3[%dma_wait3A_230, %dma_wait3A_231] : memref<1000000x64xf32, #tpu.memory_space<hbm>> -> memref<512x64xf32, #tpu.memory_space<hbm>>
      %dma_wait3A_233 = arith.constant 0 : i32
      %dma_wait3A_234 = arith.constant 0 : i32
      %dma_wait3A_235 = tpu.memref_slice %arg3[%dma_wait3A_233, %dma_wait3A_234] : memref<1000000x64xf32, #tpu.memory_space<hbm>> -> memref<512x64xf32, #tpu.memory_space<hbm>>
      tpu.wait_dma2 semaphore(%arg11 : memref<!tpu.dma_semaphore, #tpu.memory_space<semaphore_mem>>) src(%dma_wait3A_235 : memref<512x64xf32, #tpu.memory_space<hbm>>) dst(%arg7 : memref<512x64xf32, #tpu.memory_space<vmem>>)
      %dma_start3A_236 = arith.constant 0 : i32
      %dma_start3A_237 = arith.constant 0 : i32
      %dma_start3A_238 = tpu.memref_slice %arg3[%dma_start3A_236, %dma_start3A_237] : memref<1000000x64xf32, #tpu.memory_space<hbm>> -> memref<1000000x64xf32, #tpu.memory_space<hbm>>
      tpu.enqueue_indirect_dma source(%dma_start3A_238 : memref<1000000x64xf32, #tpu.memory_space<hbm>>) target(%arg8 : memref<512x64xf32, #tpu.memory_space<vmem>>) offsets(%arg6 : memref<512xi32, #tpu.memory_space<vmem>>) semaphore(%arg12 : memref<!tpu.dma_semaphore, #tpu.memory_space<semaphore_mem>>)
      %add3A_239 = arith.constant 1 : i32
      %add3A_240 = arith.addi %add3A_222, %add3A_239 : i32
      %shift_right_arithmetic3A_241 = arith.constant 5 : i32
      %shift_right_arithmetic3A_242 = arith.shrsi %add3A_240, %shift_right_arithmetic3A_241 : i32
      %and3A_243 = arith.constant 31 : i32
      %and3A_244 = arith.andi %add3A_240, %and3A_243 : i32
      %mul3A_245 = arith.constant 512 : i32
      %mul3A_246 = arith.muli %and3A_244, %mul3A_245 : i32
      %dma_start3A_247 = tpu.memref_slice %arg2[%shift_right_arithmetic3A_242, %mul3A_246] : memref<50x16384xi32, #tpu.memory_space<hbm>> -> memref<1x512xi32, #tpu.memory_space<hbm>>
      %dma_start3A_248 = tpu.memref_squeeze %dma_start3A_247 : memref<1x512xi32, #tpu.memory_space<hbm>> -> memref<512xi32, #tpu.memory_space<hbm>>
      %dma_start3A_249 = tpu.memref_slice %arg2[%shift_right_arithmetic3A_242, %mul3A_246] : memref<50x16384xi32, #tpu.memory_space<hbm>> -> memref<1x512xi32, #tpu.memory_space<hbm>>
      %dma_start3A_250 = tpu.memref_squeeze %dma_start3A_249 : memref<1x512xi32, #tpu.memory_space<hbm>> -> memref<512xi32, #tpu.memory_space<hbm>>
      tpu.enqueue_dma source(%dma_start3A_250 : memref<512xi32, #tpu.memory_space<hbm>>) target(%arg5 : memref<512xi32, #tpu.memory_space<vmem>>) target_semaphore(%arg9 : memref<!tpu.dma_semaphore, #tpu.memory_space<semaphore_mem>>)
      %dma_wait3A_251 = arith.constant 0 : i32
      %dma_wait3A_252 = arith.constant 0 : i32
      %dma_wait3A_253 = arith.constant 0 : i32
      %dma_wait3A_254 = tpu.memref_slice %arg4[%dma_wait3A_251, %dma_wait3A_252, %dma_wait3A_253] : memref<50x16384x64xf32, #tpu.memory_space<hbm>> -> memref<1x512x64xf32, #tpu.memory_space<hbm>>
      %dma_wait3A_255 = tpu.memref_squeeze %dma_wait3A_254 : memref<1x512x64xf32, #tpu.memory_space<hbm>> -> memref<512x64xf32, #tpu.memory_space<hbm>>
      %dma_wait3A_256 = arith.constant 0 : i32
      %dma_wait3A_257 = arith.constant 0 : i32
      %dma_wait3A_258 = tpu.memref_slice %arg4[%dma_wait3A_251, %dma_wait3A_256, %dma_wait3A_257] : memref<50x16384x64xf32, #tpu.memory_space<hbm>> -> memref<1x512x64xf32, #tpu.memory_space<hbm>>
      %dma_wait3A_259 = tpu.memref_squeeze %dma_wait3A_258 : memref<1x512x64xf32, #tpu.memory_space<hbm>> -> memref<512x64xf32, #tpu.memory_space<hbm>>
      tpu.wait_dma2 semaphore(%arg13 : memref<!tpu.dma_semaphore, #tpu.memory_space<semaphore_mem>>) src(%arg7 : memref<512x64xf32, #tpu.memory_space<vmem>>) dst(%dma_wait3A_259 : memref<512x64xf32, #tpu.memory_space<hbm>>)
      %sub3A_260 = arith.constant 1 : i32
      %sub3A_261 = arith.subi %add3A_222, %sub3A_260 : i32
      %shift_right_arithmetic3A_262 = arith.constant 5 : i32
      %shift_right_arithmetic3A_263 = arith.shrsi %sub3A_261, %shift_right_arithmetic3A_262 : i32
      %and3A_264 = arith.constant 31 : i32
      %and3A_265 = arith.andi %sub3A_261, %and3A_264 : i32
      %mul3A_266 = arith.constant 512 : i32
      %mul3A_267 = arith.muli %and3A_265, %mul3A_266 : i32
      %dma_start3A_268 = arith.constant 0 : i32
      %dma_start3A_269 = tpu.memref_slice %arg4[%shift_right_arithmetic3A_263, %mul3A_267, %dma_start3A_268] : memref<50x16384x64xf32, #tpu.memory_space<hbm>> -> memref<1x512x64xf32, #tpu.memory_space<hbm>>
      %dma_start3A_270 = tpu.memref_squeeze %dma_start3A_269 : memref<1x512x64xf32, #tpu.memory_space<hbm>> -> memref<512x64xf32, #tpu.memory_space<hbm>>
      %dma_start3A_271 = arith.constant 0 : i32
      %dma_start3A_272 = tpu.memref_slice %arg4[%shift_right_arithmetic3A_263, %mul3A_267, %dma_start3A_271] : memref<50x16384x64xf32, #tpu.memory_space<hbm>> -> memref<1x512x64xf32, #tpu.memory_space<hbm>>
      %dma_start3A_273 = tpu.memref_squeeze %dma_start3A_272 : memref<1x512x64xf32, #tpu.memory_space<hbm>> -> memref<512x64xf32, #tpu.memory_space<hbm>>
      tpu.enqueue_dma source(%arg7 : memref<512x64xf32, #tpu.memory_space<vmem>>) target(%dma_start3A_273 : memref<512x64xf32, #tpu.memory_space<hbm>>) target_semaphore(%arg13 : memref<!tpu.dma_semaphore, #tpu.memory_space<semaphore_mem>>)
      %mul3A_274 = arith.constant 2 : i32
      %mul3A_275 = arith.muli %mul3A_274, %scan3A_215 : i32
      %add3A_276 = arith.constant 3 : i32
      %add3A_277 = arith.addi %add3A_276, %mul3A_275 : i32
      %add3A_278 = arith.constant 1 : i32
      %add3A_279 = arith.addi %add3A_277, %add3A_278 : i32
      %add3A_280 = arith.addi %mul3A_2, %add3A_279 : i32
      %dma_wait3A_281 = arith.constant 0 : i32
      %dma_wait3A_282 = arith.constant 0 : i32
      %dma_wait3A_283 = tpu.memref_slice %arg2[%dma_wait3A_281, %dma_wait3A_282] : memref<50x16384xi32, #tpu.memory_space<hbm>> -> memref<1x512xi32, #tpu.memory_space<hbm>>
      %dma_wait3A_284 = tpu.memref_squeeze %dma_wait3A_283 : memref<1x512xi32, #tpu.memory_space<hbm>> -> memref<512xi32, #tpu.memory_space<hbm>>
      %dma_wait3A_285 = arith.constant 0 : i32
      %dma_wait3A_286 = tpu.memref_slice %arg2[%dma_wait3A_281, %dma_wait3A_285] : memref<50x16384xi32, #tpu.memory_space<hbm>> -> memref<1x512xi32, #tpu.memory_space<hbm>>
      %dma_wait3A_287 = tpu.memref_squeeze %dma_wait3A_286 : memref<1x512xi32, #tpu.memory_space<hbm>> -> memref<512xi32, #tpu.memory_space<hbm>>
      tpu.wait_dma2 semaphore(%arg9 : memref<!tpu.dma_semaphore, #tpu.memory_space<semaphore_mem>>) src(%dma_wait3A_287 : memref<512xi32, #tpu.memory_space<hbm>>) dst(%arg5 : memref<512xi32, #tpu.memory_space<vmem>>)
      %dma_wait3A_288 = arith.constant 0 : i32
      %dma_wait3A_289 = arith.constant 0 : i32
      %dma_wait3A_290 = tpu.memref_slice %arg3[%dma_wait3A_288, %dma_wait3A_289] : memref<1000000x64xf32, #tpu.memory_space<hbm>> -> memref<512x64xf32, #tpu.memory_space<hbm>>
      %dma_wait3A_291 = arith.constant 0 : i32
      %dma_wait3A_292 = arith.constant 0 : i32
      %dma_wait3A_293 = tpu.memref_slice %arg3[%dma_wait3A_291, %dma_wait3A_292] : memref<1000000x64xf32, #tpu.memory_space<hbm>> -> memref<512x64xf32, #tpu.memory_space<hbm>>
      tpu.wait_dma2 semaphore(%arg12 : memref<!tpu.dma_semaphore, #tpu.memory_space<semaphore_mem>>) src(%dma_wait3A_293 : memref<512x64xf32, #tpu.memory_space<hbm>>) dst(%arg8 : memref<512x64xf32, #tpu.memory_space<vmem>>)
      %dma_start3A_294 = arith.constant 0 : i32
      %dma_start3A_295 = arith.constant 0 : i32
      %dma_start3A_296 = tpu.memref_slice %arg3[%dma_start3A_294, %dma_start3A_295] : memref<1000000x64xf32, #tpu.memory_space<hbm>> -> memref<1000000x64xf32, #tpu.memory_space<hbm>>
      tpu.enqueue_indirect_dma source(%dma_start3A_296 : memref<1000000x64xf32, #tpu.memory_space<hbm>>) target(%arg7 : memref<512x64xf32, #tpu.memory_space<vmem>>) offsets(%arg5 : memref<512xi32, #tpu.memory_space<vmem>>) semaphore(%arg11 : memref<!tpu.dma_semaphore, #tpu.memory_space<semaphore_mem>>)
      %add3A_297 = arith.constant 1 : i32
      %add3A_298 = arith.addi %add3A_280, %add3A_297 : i32
      %shift_right_arithmetic3A_299 = arith.constant 5 : i32
      %shift_right_arithmetic3A_300 = arith.shrsi %add3A_298, %shift_right_arithmetic3A_299 : i32
      %and3A_301 = arith.constant 31 : i32
      %and3A_302 = arith.andi %add3A_298, %and3A_301 : i32
      %mul3A_303 = arith.constant 512 : i32
      %mul3A_304 = arith.muli %and3A_302, %mul3A_303 : i32
      %dma_start3A_305 = tpu.memref_slice %arg2[%shift_right_arithmetic3A_300, %mul3A_304] : memref<50x16384xi32, #tpu.memory_space<hbm>> -> memref<1x512xi32, #tpu.memory_space<hbm>>
      %dma_start3A_306 = tpu.memref_squeeze %dma_start3A_305 : memref<1x512xi32, #tpu.memory_space<hbm>> -> memref<512xi32, #tpu.memory_space<hbm>>
      %dma_start3A_307 = tpu.memref_slice %arg2[%shift_right_arithmetic3A_300, %mul3A_304] : memref<50x16384xi32, #tpu.memory_space<hbm>> -> memref<1x512xi32, #tpu.memory_space<hbm>>
      %dma_start3A_308 = tpu.memref_squeeze %dma_start3A_307 : memref<1x512xi32, #tpu.memory_space<hbm>> -> memref<512xi32, #tpu.memory_space<hbm>>
      tpu.enqueue_dma source(%dma_start3A_308 : memref<512xi32, #tpu.memory_space<hbm>>) target(%arg6 : memref<512xi32, #tpu.memory_space<vmem>>) target_semaphore(%arg10 : memref<!tpu.dma_semaphore, #tpu.memory_space<semaphore_mem>>)
      %dma_wait3A_309 = arith.constant 0 : i32
      %dma_wait3A_310 = arith.constant 0 : i32
      %dma_wait3A_311 = arith.constant 0 : i32
      %dma_wait3A_312 = tpu.memref_slice %arg4[%dma_wait3A_309, %dma_wait3A_310, %dma_wait3A_311] : memref<50x16384x64xf32, #tpu.memory_space<hbm>> -> memref<1x512x64xf32, #tpu.memory_space<hbm>>
      %dma_wait3A_313 = tpu.memref_squeeze %dma_wait3A_312 : memref<1x512x64xf32, #tpu.memory_space<hbm>> -> memref<512x64xf32, #tpu.memory_space<hbm>>
      %dma_wait3A_314 = arith.constant 0 : i32
      %dma_wait3A_315 = arith.constant 0 : i32
      %dma_wait3A_316 = tpu.memref_slice %arg4[%dma_wait3A_309, %dma_wait3A_314, %dma_wait3A_315] : memref<50x16384x64xf32, #tpu.memory_space<hbm>> -> memref<1x512x64xf32, #tpu.memory_space<hbm>>
      %dma_wait3A_317 = tpu.memref_squeeze %dma_wait3A_316 : memref<1x512x64xf32, #tpu.memory_space<hbm>> -> memref<512x64xf32, #tpu.memory_space<hbm>>
      tpu.wait_dma2 semaphore(%arg14 : memref<!tpu.dma_semaphore, #tpu.memory_space<semaphore_mem>>) src(%arg8 : memref<512x64xf32, #tpu.memory_space<vmem>>) dst(%dma_wait3A_317 : memref<512x64xf32, #tpu.memory_space<hbm>>)
      %sub3A_318 = arith.constant 1 : i32
      %sub3A_319 = arith.subi %add3A_280, %sub3A_318 : i32
      %shift_right_arithmetic3A_320 = arith.constant 5 : i32
      %shift_right_arithmetic3A_321 = arith.shrsi %sub3A_319, %shift_right_arithmetic3A_320 : i32
      %and3A_322 = arith.constant 31 : i32
      %and3A_323 = arith.andi %sub3A_319, %and3A_322 : i32
      %mul3A_324 = arith.constant 512 : i32
      %mul3A_325 = arith.muli %and3A_323, %mul3A_324 : i32
      %dma_start3A_326 = arith.constant 0 : i32
      %dma_start3A_327 = tpu.memref_slice %arg4[%shift_right_arithmetic3A_321, %mul3A_325, %dma_start3A_326] : memref<50x16384x64xf32, #tpu.memory_space<hbm>> -> memref<1x512x64xf32, #tpu.memory_space<hbm>>
      %dma_start3A_328 = tpu.memref_squeeze %dma_start3A_327 : memref<1x512x64xf32, #tpu.memory_space<hbm>> -> memref<512x64xf32, #tpu.memory_space<hbm>>
      %dma_start3A_329 = arith.constant 0 : i32
      %dma_start3A_330 = tpu.memref_slice %arg4[%shift_right_arithmetic3A_321, %mul3A_325, %dma_start3A_329] : memref<50x16384x64xf32, #tpu.memory_space<hbm>> -> memref<1x512x64xf32, #tpu.memory_space<hbm>>
      %dma_start3A_331 = tpu.memref_squeeze %dma_start3A_330 : memref<1x512x64xf32, #tpu.memory_space<hbm>> -> memref<512x64xf32, #tpu.memory_space<hbm>>
      tpu.enqueue_dma source(%arg8 : memref<512x64xf32, #tpu.memory_space<vmem>>) target(%dma_start3A_331 : memref<512x64xf32, #tpu.memory_space<hbm>>) target_semaphore(%arg14 : memref<!tpu.dma_semaphore, #tpu.memory_space<semaphore_mem>>)
    }
    %scan3A_124 = arith.constant 23 : i32
    %add3A_125 = arith.constant 49 : i32
    %add3A_126 = arith.addi %mul3A_2, %add3A_125 : i32
    %dma_wait3A_127 = arith.constant 0 : i32
    %dma_wait3A_128 = arith.constant 0 : i32
    %dma_wait3A_129 = tpu.memref_slice %arg2[%dma_wait3A_127, %dma_wait3A_128] : memref<50x16384xi32, #tpu.memory_space<hbm>> -> memref<1x512xi32, #tpu.memory_space<hbm>>
    %dma_wait3A_130 = tpu.memref_squeeze %dma_wait3A_129 : memref<1x512xi32, #tpu.memory_space<hbm>> -> memref<512xi32, #tpu.memory_space<hbm>>
    %dma_wait3A_131 = arith.constant 0 : i32
    %dma_wait3A_132 = tpu.memref_slice %arg2[%dma_wait3A_127, %dma_wait3A_131] : memref<50x16384xi32, #tpu.memory_space<hbm>> -> memref<1x512xi32, #tpu.memory_space<hbm>>
    %dma_wait3A_133 = tpu.memref_squeeze %dma_wait3A_132 : memref<1x512xi32, #tpu.memory_space<hbm>> -> memref<512xi32, #tpu.memory_space<hbm>>
    tpu.wait_dma2 semaphore(%arg10 : memref<!tpu.dma_semaphore, #tpu.memory_space<semaphore_mem>>) src(%dma_wait3A_133 : memref<512xi32, #tpu.memory_space<hbm>>) dst(%arg6 : memref<512xi32, #tpu.memory_space<vmem>>)
    %dma_wait3A_134 = arith.constant 0 : i32
    %dma_wait3A_135 = arith.constant 0 : i32
    %dma_wait3A_136 = tpu.memref_slice %arg3[%dma_wait3A_134, %dma_wait3A_135] : memref<1000000x64xf32, #tpu.memory_space<hbm>> -> memref<512x64xf32, #tpu.memory_space<hbm>>
    %dma_wait3A_137 = arith.constant 0 : i32
    %dma_wait3A_138 = arith.constant 0 : i32
    %dma_wait3A_139 = tpu.memref_slice %arg3[%dma_wait3A_137, %dma_wait3A_138] : memref<1000000x64xf32, #tpu.memory_space<hbm>> -> memref<512x64xf32, #tpu.memory_space<hbm>>
    tpu.wait_dma2 semaphore(%arg11 : memref<!tpu.dma_semaphore, #tpu.memory_space<semaphore_mem>>) src(%dma_wait3A_139 : memref<512x64xf32, #tpu.memory_space<hbm>>) dst(%arg7 : memref<512x64xf32, #tpu.memory_space<vmem>>)
    %dma_start3A_140 = arith.constant 0 : i32
    %dma_start3A_141 = arith.constant 0 : i32
    %dma_start3A_142 = tpu.memref_slice %arg3[%dma_start3A_140, %dma_start3A_141] : memref<1000000x64xf32, #tpu.memory_space<hbm>> -> memref<1000000x64xf32, #tpu.memory_space<hbm>>
    tpu.enqueue_indirect_dma source(%dma_start3A_142 : memref<1000000x64xf32, #tpu.memory_space<hbm>>) target(%arg8 : memref<512x64xf32, #tpu.memory_space<vmem>>) offsets(%arg6 : memref<512xi32, #tpu.memory_space<vmem>>) semaphore(%arg12 : memref<!tpu.dma_semaphore, #tpu.memory_space<semaphore_mem>>)
    %dma_wait3A_143 = arith.constant 0 : i32
    %dma_wait3A_144 = arith.constant 0 : i32
    %dma_wait3A_145 = arith.constant 0 : i32
    %dma_wait3A_146 = tpu.memref_slice %arg4[%dma_wait3A_143, %dma_wait3A_144, %dma_wait3A_145] : memref<50x16384x64xf32, #tpu.memory_space<hbm>> -> memref<1x512x64xf32, #tpu.memory_space<hbm>>
    %dma_wait3A_147 = tpu.memref_squeeze %dma_wait3A_146 : memref<1x512x64xf32, #tpu.memory_space<hbm>> -> memref<512x64xf32, #tpu.memory_space<hbm>>
    %dma_wait3A_148 = arith.constant 0 : i32
    %dma_wait3A_149 = arith.constant 0 : i32
    %dma_wait3A_150 = tpu.memref_slice %arg4[%dma_wait3A_143, %dma_wait3A_148, %dma_wait3A_149] : memref<50x16384x64xf32, #tpu.memory_space<hbm>> -> memref<1x512x64xf32, #tpu.memory_space<hbm>>
    %dma_wait3A_151 = tpu.memref_squeeze %dma_wait3A_150 : memref<1x512x64xf32, #tpu.memory_space<hbm>> -> memref<512x64xf32, #tpu.memory_space<hbm>>
    tpu.wait_dma2 semaphore(%arg13 : memref<!tpu.dma_semaphore, #tpu.memory_space<semaphore_mem>>) src(%arg7 : memref<512x64xf32, #tpu.memory_space<vmem>>) dst(%dma_wait3A_151 : memref<512x64xf32, #tpu.memory_space<hbm>>)
    %sub3A_152 = arith.constant 1 : i32
    %sub3A_153 = arith.subi %add3A_126, %sub3A_152 : i32
    %shift_right_arithmetic3A_154 = arith.constant 5 : i32
    %shift_right_arithmetic3A_155 = arith.shrsi %sub3A_153, %shift_right_arithmetic3A_154 : i32
    %and3A_156 = arith.constant 31 : i32
    %and3A_157 = arith.andi %sub3A_153, %and3A_156 : i32
    %mul3A_158 = arith.constant 512 : i32
    %mul3A_159 = arith.muli %and3A_157, %mul3A_158 : i32
    %dma_start3A_160 = arith.constant 0 : i32
    %dma_start3A_161 = tpu.memref_slice %arg4[%shift_right_arithmetic3A_155, %mul3A_159, %dma_start3A_160] : memref<50x16384x64xf32, #tpu.memory_space<hbm>> -> memref<1x512x64xf32, #tpu.memory_space<hbm>>
    %dma_start3A_162 = tpu.memref_squeeze %dma_start3A_161 : memref<1x512x64xf32, #tpu.memory_space<hbm>> -> memref<512x64xf32, #tpu.memory_space<hbm>>
    %dma_start3A_163 = arith.constant 0 : i32
    %dma_start3A_164 = tpu.memref_slice %arg4[%shift_right_arithmetic3A_155, %mul3A_159, %dma_start3A_163] : memref<50x16384x64xf32, #tpu.memory_space<hbm>> -> memref<1x512x64xf32, #tpu.memory_space<hbm>>
    %dma_start3A_165 = tpu.memref_squeeze %dma_start3A_164 : memref<1x512x64xf32, #tpu.memory_space<hbm>> -> memref<512x64xf32, #tpu.memory_space<hbm>>
    tpu.enqueue_dma source(%arg7 : memref<512x64xf32, #tpu.memory_space<vmem>>) target(%dma_start3A_165 : memref<512x64xf32, #tpu.memory_space<hbm>>) target_semaphore(%arg13 : memref<!tpu.dma_semaphore, #tpu.memory_space<semaphore_mem>>)
    %dma_wait3A_166 = arith.constant 0 : i32
    %dma_wait3A_167 = arith.constant 0 : i32
    %dma_wait3A_168 = tpu.memref_slice %arg3[%dma_wait3A_166, %dma_wait3A_167] : memref<1000000x64xf32, #tpu.memory_space<hbm>> -> memref<512x64xf32, #tpu.memory_space<hbm>>
    %dma_wait3A_169 = arith.constant 0 : i32
    %dma_wait3A_170 = arith.constant 0 : i32
    %dma_wait3A_171 = tpu.memref_slice %arg3[%dma_wait3A_169, %dma_wait3A_170] : memref<1000000x64xf32, #tpu.memory_space<hbm>> -> memref<512x64xf32, #tpu.memory_space<hbm>>
    tpu.wait_dma2 semaphore(%arg12 : memref<!tpu.dma_semaphore, #tpu.memory_space<semaphore_mem>>) src(%dma_wait3A_171 : memref<512x64xf32, #tpu.memory_space<hbm>>) dst(%arg8 : memref<512x64xf32, #tpu.memory_space<vmem>>)
    %dma_wait3A_172 = arith.constant 0 : i32
    %dma_wait3A_173 = arith.constant 0 : i32
    %dma_wait3A_174 = arith.constant 0 : i32
    %dma_wait3A_175 = tpu.memref_slice %arg4[%dma_wait3A_172, %dma_wait3A_173, %dma_wait3A_174] : memref<50x16384x64xf32, #tpu.memory_space<hbm>> -> memref<1x512x64xf32, #tpu.memory_space<hbm>>
    %dma_wait3A_176 = tpu.memref_squeeze %dma_wait3A_175 : memref<1x512x64xf32, #tpu.memory_space<hbm>> -> memref<512x64xf32, #tpu.memory_space<hbm>>
    %dma_wait3A_177 = arith.constant 0 : i32
    %dma_wait3A_178 = arith.constant 0 : i32
    %dma_wait3A_179 = tpu.memref_slice %arg4[%dma_wait3A_172, %dma_wait3A_177, %dma_wait3A_178] : memref<50x16384x64xf32, #tpu.memory_space<hbm>> -> memref<1x512x64xf32, #tpu.memory_space<hbm>>
    %dma_wait3A_180 = tpu.memref_squeeze %dma_wait3A_179 : memref<1x512x64xf32, #tpu.memory_space<hbm>> -> memref<512x64xf32, #tpu.memory_space<hbm>>
    tpu.wait_dma2 semaphore(%arg14 : memref<!tpu.dma_semaphore, #tpu.memory_space<semaphore_mem>>) src(%arg8 : memref<512x64xf32, #tpu.memory_space<vmem>>) dst(%dma_wait3A_180 : memref<512x64xf32, #tpu.memory_space<hbm>>)
    %add3A_181 = arith.constant 50 : i32
    %add3A_182 = arith.addi %mul3A_2, %add3A_181 : i32
    %sub3A_183 = arith.constant 1 : i32
    %sub3A_184 = arith.subi %add3A_182, %sub3A_183 : i32
    %shift_right_arithmetic3A_185 = arith.constant 5 : i32
    %shift_right_arithmetic3A_186 = arith.shrsi %sub3A_184, %shift_right_arithmetic3A_185 : i32
    %and3A_187 = arith.constant 31 : i32
    %and3A_188 = arith.andi %sub3A_184, %and3A_187 : i32
    %mul3A_189 = arith.constant 512 : i32
    %mul3A_190 = arith.muli %and3A_188, %mul3A_189 : i32
    %dma_start3A_191 = arith.constant 0 : i32
    %dma_start3A_192 = tpu.memref_slice %arg4[%shift_right_arithmetic3A_186, %mul3A_190, %dma_start3A_191] : memref<50x16384x64xf32, #tpu.memory_space<hbm>> -> memref<1x512x64xf32, #tpu.memory_space<hbm>>
    %dma_start3A_193 = tpu.memref_squeeze %dma_start3A_192 : memref<1x512x64xf32, #tpu.memory_space<hbm>> -> memref<512x64xf32, #tpu.memory_space<hbm>>
    %dma_start3A_194 = arith.constant 0 : i32
    %dma_start3A_195 = tpu.memref_slice %arg4[%shift_right_arithmetic3A_186, %mul3A_190, %dma_start3A_194] : memref<50x16384x64xf32, #tpu.memory_space<hbm>> -> memref<1x512x64xf32, #tpu.memory_space<hbm>>
    %dma_start3A_196 = tpu.memref_squeeze %dma_start3A_195 : memref<1x512x64xf32, #tpu.memory_space<hbm>> -> memref<512x64xf32, #tpu.memory_space<hbm>>
    tpu.enqueue_dma source(%arg8 : memref<512x64xf32, #tpu.memory_space<vmem>>) target(%dma_start3A_196 : memref<512x64xf32, #tpu.memory_space<hbm>>) target_semaphore(%arg14 : memref<!tpu.dma_semaphore, #tpu.memory_space<semaphore_mem>>)
    %dma_wait3A_197 = arith.constant 0 : i32
    %dma_wait3A_198 = arith.constant 0 : i32
    %dma_wait3A_199 = arith.constant 0 : i32
    %dma_wait3A_200 = tpu.memref_slice %arg4[%dma_wait3A_197, %dma_wait3A_198, %dma_wait3A_199] : memref<50x16384x64xf32, #tpu.memory_space<hbm>> -> memref<1x512x64xf32, #tpu.memory_space<hbm>>
    %dma_wait3A_201 = tpu.memref_squeeze %dma_wait3A_200 : memref<1x512x64xf32, #tpu.memory_space<hbm>> -> memref<512x64xf32, #tpu.memory_space<hbm>>
    %dma_wait3A_202 = arith.constant 0 : i32
    %dma_wait3A_203 = arith.constant 0 : i32
    %dma_wait3A_204 = tpu.memref_slice %arg4[%dma_wait3A_197, %dma_wait3A_202, %dma_wait3A_203] : memref<50x16384x64xf32, #tpu.memory_space<hbm>> -> memref<1x512x64xf32, #tpu.memory_space<hbm>>
    %dma_wait3A_205 = tpu.memref_squeeze %dma_wait3A_204 : memref<1x512x64xf32, #tpu.memory_space<hbm>> -> memref<512x64xf32, #tpu.memory_space<hbm>>
    tpu.wait_dma2 semaphore(%arg14 : memref<!tpu.dma_semaphore, #tpu.memory_space<semaphore_mem>>) src(%arg8 : memref<512x64xf32, #tpu.memory_space<vmem>>) dst(%dma_wait3A_205 : memref<512x64xf32, #tpu.memory_space<hbm>>)
    %dma_wait3A_206 = arith.constant 0 : i32
    %dma_wait3A_207 = arith.constant 0 : i32
    %dma_wait3A_208 = arith.constant 0 : i32
    %dma_wait3A_209 = tpu.memref_slice %arg4[%dma_wait3A_206, %dma_wait3A_207, %dma_wait3A_208] : memref<50x16384x64xf32, #tpu.memory_space<hbm>> -> memref<1x512x64xf32, #tpu.memory_space<hbm>>
    %dma_wait3A_210 = tpu.memref_squeeze %dma_wait3A_209 : memref<1x512x64xf32, #tpu.memory_space<hbm>> -> memref<512x64xf32, #tpu.memory_space<hbm>>
    %dma_wait3A_211 = arith.constant 0 : i32
    %dma_wait3A_212 = arith.constant 0 : i32
    %dma_wait3A_213 = tpu.memref_slice %arg4[%dma_wait3A_206, %dma_wait3A_211, %dma_wait3A_212] : memref<50x16384x64xf32, #tpu.memory_space<hbm>> -> memref<1x512x64xf32, #tpu.memory_space<hbm>>
    %dma_wait3A_214 = tpu.memref_squeeze %dma_wait3A_213 : memref<1x512x64xf32, #tpu.memory_space<hbm>> -> memref<512x64xf32, #tpu.memory_space<hbm>>
    tpu.wait_dma2 semaphore(%arg13 : memref<!tpu.dma_semaphore, #tpu.memory_space<semaphore_mem>>) src(%arg7 : memref<512x64xf32, #tpu.memory_space<vmem>>) dst(%dma_wait3A_214 : memref<512x64xf32, #tpu.memory_space<hbm>>)
    return
  }
}

module attributes {stable_mosaic.version = 14 : i64} {
  func.func @_tc_transpose_body(%arg0: i32, %arg1: i32, %arg2: memref<1x8192x64xf32, #tpu.memory_space<vmem>>, %arg3: memref<1x64x8192xf32, #tpu.memory_space<vmem>>) attributes {dimension_semantics = [#tpu.dimension_semantics<arbitrary>, #tpu.dimension_semantics<arbitrary>], iteration_bounds = array<i64: 50, 2>, scalar_prefetch = 0 : i64, scratch_operands = 0 : i64, tpu.core_type = #tpu.core_type<tc>, window_params = [{transform_indices = @transform_0, window_bounds = array<i64: 1, 8192, 64>}, {transform_indices = @transform_1, window_bounds = array<i64: 1, 64, 8192>}]} {
    %get3A = arith.constant 0 : index
    %get3A_0 = arith.constant 0 : index
    %get3A_1 = arith.constant 0 : index
    %get3A_2 = vector.load %arg2[%get3A, %get3A_0, %get3A_1] : memref<1x8192x64xf32, #tpu.memory_space<vmem>>, vector<1x8192x64xf32>
    %get3A_3 = vector.shape_cast %get3A_2 : vector<1x8192x64xf32> to vector<8192x64xf32>
    %transpose3A = tpu.transpose %get3A_3, [1, 0] : vector<8192x64xf32> -> vector<64x8192xf32>
    %swap3A = arith.constant 0 : index
    %swap3A_4 = arith.constant 0 : index
    %swap3A_5 = arith.constant 0 : index
    %swap3A_6 = vector.load %arg3[%swap3A, %swap3A_4, %swap3A_5] : memref<1x64x8192xf32, #tpu.memory_space<vmem>>, vector<1x64x8192xf32>
    %swap3A_7 = vector.shape_cast %swap3A_6 : vector<1x64x8192xf32> to vector<64x8192xf32>
    %swap3A_8 = vector.shape_cast %transpose3A : vector<64x8192xf32> to vector<1x64x8192xf32>
    tpu.vector_store %arg3[%swap3A, %swap3A_4, %swap3A_5], %swap3A_8 {strides = array<i32>} : memref<1x64x8192xf32, #tpu.memory_space<vmem>>, vector<1x64x8192xf32>,
    return
  }
  func.func @transform_0(%arg0: i32, %arg1: i32) -> (i32, i32, i32) {
    %c0_i32 = arith.constant 0 : i32
    %c0_i32_0 = arith.constant 0 : i32
    return %arg0, %arg1, %c0_i32 : i32, i32, i32
  }
  func.func @transform_1(%arg0: i32, %arg1: i32) -> (i32, i32, i32) {
    %c0_i32 = arith.constant 0 : i32
    %c0_i32_0 = arith.constant 0 : i32
    return %arg0, %c0_i32, %arg1 : i32, i32, i32
  }
}

</mosaic_0001>

<sc_bundles>
// kernel: kernel.4.cloned.1.call-start
scs
__scs_entry_jumppad:
0x0: {  	(pc) =	sbr.rel $0x88, $3  }
0x1: {  	(tag) =	ssettag $0x0;
	lr =	simm.s32 $0x1  }
0x2: {  	[smem:$0x3F9F] =	sst lr;
	_ =	strace $0xD0000000  }
0x3: {  	_ = 	snop  }
0x4: {  	_ = 	snop  }
0x5: {  	_ = 	snop  }
0x6: {  	_ = 	snop  }
0x7: {  	_ = 	snop  }
__scs_overlays_trampoline_lowered:
0x8: {  	[smem:$0x3FAE] =	sst s0  }
0x9: {  	[smem:$0x3FAF] =	sst s1  }
0xa: {  	[smem:$0x3FB0] =	sst s2  }
0xb: {  	[smem:$0x3FB1] =	sst s3  }
0xc: {  	[smem:$0x3FB2] =	sst s4  }
0xd: {  	[smem:$0x3FB3] =	sst s5  }
0xe: {  	[smem:$0x3FB4] =	sst s6  }
0xf: {  	[smem:$0x3FB5] =	sst s7  }
0x10: {  	[smem:$0x3FB6] =	sst s8  }
0x11: {  	[smem:$0x3FB7] =	sst s9;
	s0 =	simm.s32 @!p0 $0x0  }
0x12: {  	s1 =	sld [smem:$0x3F9D];
	s0 =	simm.s32 @p0 $0x1  }
0x13: {  	[smem:$0x3FB8] =	sst s0;
	s0 =	simm.s32 @!p1 $0x0  }
0x14: {  	s2 =	sld [smem:$0x3F9C];
	s0 =	simm.s32 @p1 $0x1  }
0x15: {  	[smem:$0x3FB9] =	sst s0;
	s0 =	simm.s32 @!p2 $0x0  }
0x16: {  	s3 =	sld [smem:$0x3FDB];
	s0 =	simm.s32 @p2 $0x1  }
0x17: {  	s4 =	simm.s32 $0x1BF5;
	[smem:$0x3FBB] =	sst s0  }
0x18: {  	s0 =	sld [smem:$0x3F9E];
	_ =	swait.ge [sflag:s4], $0x0  }
0x19: {  	s7 =	sld [smem:$0x3F9F]  }
0x1a: {  	s8 =	sadd.s32 $0xFFFFE003, lr  }
0x1b: {  	s9 =	sadd.s32 $0xFFFFFEF7, lr;
	s5 =	simm.s32 $0xFFFFFFFF;
	p2 =	slt.u32 s8, $0xFFFFF086  }
0x1c: {  	p1 =	slt.u32 s9, $0xF7A;
	s5 =	simm.s32 @!p2 $0x0  }
0x1d: {  	s5 =	simm.s32 @p1 $0x1;
	p0 =	seq.s32 s7, s2  }
0x1e: {  	s7 =	smul.u32 @!p0 $0xF7A, s2;
	p2 =	seq.s32 @!p0 s5, $0x0  }
0x1f: {  	s9 =	smul.u32 $0xF7A, s1;
	s8 =	simm.s32 @!p0 $0x1BF5;
	p2 =	por !p2, p0  }
0x20: {  	[sflag:s8] =	ssyncset.s32 @!p0 $0xFFFFF086;
	s6 =	sadd.s32 @!p0 s3, s7;
	s7 =	simm.s32 @!p0 $0x108  }
0x21: {  	s3 =	sadd.s32 s3, s9;
	s6 =	sadd.s32 @!p0 $0x88, s6;
	s7 =	simm.s32 @p2 $0x1082  }
0x22: {  	[simem:s7], [sflag:s8] =	dma.local @!p0 [hbm:s6], $0xF7A  }
0x23: {  	s9 =	sor.u32 $0xD0000000, s2;
	s6 =	simm.s32 $0x108;
	_ =	swait.ge @!p0 [sflag:s8], $0x0  }
0x24: {  	s3 =	sadd.s32 $0x88, s3;
	s6 =	simm.s32 @!p1 $0x1082;
	[sflag:s4] =	ssyncset.s32 $0xFFFFF086  }
0x25: {  	[simem:s6], [sflag:s4] =	dma.local [hbm:s3], $0xF7A  }
0x26: {  	[smem:$0x3F9F] =	sst s1;
	(tag) =	ssettag s2;
	_ =	strace s9  }
0x27: {  	s1 =	sld [smem:$0x3FAF]  }
0x28: {  	s2 =	sld [smem:$0x3FB0]  }
0x29: {  	s4 =	sld [smem:$0x3FB2]  }
0x2a: {  	p0 =	seq.s32 s5, $0x0;
	s5 =	sld [smem:$0x3FB3]  }
0x2b: {  	s6 =	sld [smem:$0x3FB4]  }
0x2c: {  	s7 =	sld [smem:$0x3FB5]  }
0x2d: {  	s3 =	simm.s32 $0x108;
	s8 =	sld [smem:$0x3FB6]  }
0x2e: {  	s3 =	simm.s32 @!p0 $0x1082;
	s9 =	sld [smem:$0x3FB7]  }
0x2f: {  	lr =	sadd.s32 s0, s3;
	s0 =	sld [smem:$0x3FAE]  }
0x30: {  	s3 =	sld [smem:$0x3FB1]  }
0x31: {  	[smem:$0x3FBA] =	sst s10  }
0x32: {  	s10 =	sld [smem:$0x3FB8];
	_ =	sdelay $0x3  }
0x33: {  	p0 =	seq.s32 s10, $0x1;
	s10 =	sld [smem:$0x3FBA];
	_ =	sdelay $0x3  }
0x34: {  	[smem:$0x3FBA] =	sst s10  }
0x35: {  	s10 =	sld [smem:$0x3FB9];
	_ =	sdelay $0x3  }
0x36: {  	p1 =	seq.s32 s10, $0x1;
	s10 =	sld [smem:$0x3FBA];
	_ =	sdelay $0x3  }
0x37: {  	[smem:$0x3FBA] =	sst s10  }
0x38: {  	s10 =	sld [smem:$0x3FBB]  }
0x39: {  	_ = 	snop;
	(pc) =	sbr.ind lr, $3  }
0x3a: {  	_ = 	snop  }
0x3b: {  	_ = 	snop  }
0x3c: {  	p2 =	seq.s32 s10, $0x1;
	s10 =	sld [smem:$0x3FBA]  }
0x3d: {  	_ =	shalt  }
0x3e: {  	_ =	shalt  }
0x3f: {  	_ =	shalt  }
0x40: {  	_ =	shalt  }
0x41: {  	_ =	shalt  }
0x42: {  	_ =	shalt  }
0x43: {  	_ =	shalt  }
0x44: {  	_ =	shalt  }
0x45: {  	_ =	shalt  }
0x46: {  	_ =	shalt  }
0x47: {  	_ =	shalt  }
0x48: {  	_ =	shalt  }
0x49: {  	_ =	shalt  }
0x4a: {  	_ =	shalt  }
0x4b: {  	_ =	shalt  }
0x4c: {  	_ =	shalt  }
0x4d: {  	_ =	shalt  }
0x4e: {  	_ =	shalt  }
0x4f: {  	_ =	shalt  }
0x50: {  	_ =	shalt  }
0x51: {  	_ =	shalt  }
0x52: {  	_ =	shalt  }
0x53: {  	_ =	shalt  }
0x54: {  	_ =	shalt  }
0x55: {  	_ =	shalt  }
0x56: {  	_ =	shalt  }
0x57: {  	_ =	shalt  }
0x58: {  	_ =	shalt  }
0x59: {  	_ =	shalt  }
0x5a: {  	_ =	shalt  }
0x5b: {  	_ =	shalt  }
0x5c: {  	_ =	shalt  }
0x5d: {  	_ =	shalt  }
0x5e: {  	_ =	shalt  }
0x5f: {  	_ =	shalt  }
0x60: {  	_ =	shalt  }
0x61: {  	_ =	shalt  }
0x62: {  	_ =	shalt  }
0x63: {  	_ =	shalt  }
0x64: {  	_ =	shalt  }
0x65: {  	_ =	shalt  }
0x66: {  	_ =	shalt  }
0x67: {  	_ =	shalt  }
0x68: {  	_ =	shalt  }
0x69: {  	_ =	shalt  }
0x6a: {  	_ =	shalt  }
0x6b: {  	_ =	shalt  }
0x6c: {  	_ =	shalt  }
0x6d: {  	_ =	shalt  }
0x6e: {  	_ =	shalt  }
0x6f: {  	_ =	shalt  }
0x70: {  	_ =	shalt  }
0x71: {  	_ =	shalt  }
0x72: {  	_ =	shalt  }
0x73: {  	_ =	shalt  }
0x74: {  	_ =	shalt  }
0x75: {  	_ =	shalt  }
0x76: {  	_ =	shalt  }
0x77: {  	_ =	shalt  }
0x78: {  	_ =	shalt  }
0x79: {  	_ =	shalt  }
0x7a: {  	_ =	shalt  }
0x7b: {  	_ =	shalt  }
0x7c: {  	_ =	shalt  }
0x7d: {  	_ =	shalt  }
0x7e: {  	_ =	shalt  }
0x7f: {  	_ =	shalt  }
0x80: {  	_ =	shalt  }
0x81: {  	_ =	shalt  }
0x82: {  	_ =	shalt  }
0x83: {  	_ =	shalt  }
0x84: {  	_ =	shalt  }
0x85: {  	_ =	shalt  }
0x86: {  	_ =	shalt  }
0x87: {  	_ =	shalt  }
.Lfunc_end0:
.L_simem_size_0:
called_computation_lowered:
.L_overlay_start_0:
0x88: {  	s2 =	sld [smem:$0x3FD9]  }
0x89: {  	s3 =	sld [smem:$0x3FFE];
	_ =	sdelay $0x1  }
0x8a: {  	s1 =	srdreg.scid  }
0x8b: {  	s0 =	sand.u32 $0x1, s1  }
0x8c: {  	s17 =	sshll.u32 s0, $0xA;
	s2 =	sadd.s32 s3, s2  }
0x8d: {  	s2 =	sadd.s32 s2, s17  }
0x8e: {  	[smem:$0x3FC6] =	sst s2  }
0x8f: {  	_ = 	snop  }
0x90: {  	s2 =	sld [smem:$0x3FD0];
	(tm) =	ssettm $0x1  }
0x91: {  	s18 =	sld [smem:$0x3FFB];
	_ =	sdelay $0x3  }
0x92: {  	_ =	strace s18  }
0x93: {  	s3 =	sld [smem:$0x3FFC];
	_ =	sdelay $0x3  }
0x94: {  	_ =	strace s3  }
0x95: {  	s3 =	sld [smem:$0x3FFD];
	_ =	sdelay $0x3  }
0x96: {  	_ =	strace s3  }
0x97: {  	_ =	strace $0x8FFFFFFF  }
0x98: {  	s19 =	sld [smem:$0x3FDB];
	_ =	sdelay $0x1  }
0x99: {  	s4 =	simm.s32 $_scs_section_size  }
0x9a: {  	s5 =	simm.s32 $_size__tile_overlayer_lowered;
	s6 =	simm.s32 $_tile_overlayer_lowered  }
0x9b: {  	s22 =	simm.s32 $0x1BFF;
	s21 =	sshll.u32 s6, $0x1;
	s3 =	sadd.s32 s4, s19  }
0x9c: {  	s7 =	simm.s32 $0x0;
	s20 =	sshll.u32 s5, $0x1;
	s5 =	sadd.s32 s21, s3  }
0x9d: {  	[timem:s7], [sflag:s22] =	dma.local [hbm:s5], s20  }
0x9e: {  	_ =	swait.ge [sflag:s22], s20  }
0x9f: {  	s4 =	ssub.s32 $0x0, s20;
	[sflag:s22] =	ssyncset.done $0x0  }
0xa0: {  	[sflag:s22] =	ssyncadd.s32 s4;
	_ =	sdelay $0x1  }
0xa1: {  	s23 =	simm.s32 $0x1B8B  }
0xa2: {  	_ =	swait.ge [sflag:s23], $0x1  }
0xa3: {  	[sflag:s23] =	ssyncset.done $0x0  }
0xa4: {  	s25 =	simm.s32 $0x1B8E;
	s24 =	sld [smem:$0x3FFE];
	[sflag:s23] =	ssyncadd.s32 $0xFFFFFFFF  }
0xa5: {  	s26 =	simm.s32 $execute0_lowered;
	[smem:$0x3FD2] =	sst s25  }
0xa6: {  	s5 =	sshll.u32 s26, $0x1;
	_ =	strace $0x80000046;
	[dreg:$0x1] =	wrdreg $0xFFFFFFFF  }
0xa7: {  	s28 =	simm.s32 $_size_execute0_lowered;
	s3 =	sadd.s32 s3, s5;
	[dreg:$0x0] =	wrdreg $0x0  }
0xa8: {  	s5 =	sshll.u32 s28, $0x1;
	[dreg:$0x2] =	wrdreg s3  }
0xa9: {  	[dreg:$0x3] =	wrdreg s5  }
0xaa: {  	[dreg:$0x4] =	wrdreg $0xC0  }
0xab: {  	_ =	task [dreg:s7], $0x5FFFF  }
0xac: {  	[dreg:$0x1] =	wrdreg $0xFFFFFFFF  }
0xad: {  	[dreg:$0x0] =	wrdreg $0x60  }
0xae: {  	[dreg:$0x2] =	wrdreg s24  }
0xaf: {  	[dreg:$0x3] =	wrdreg s2  }
0xb0: {  	[dreg:$0x4] =	wrdreg $0x9  }
0xb1: {  	_ =	task.clear_ibuf [dreg:s7], $0x5FFFF;
	_ =	strace $0x90000046  }
0xb2: {  	s29 =	simm.s32 $0x9;
	_ =	strace $0x80000048  }
0xb3: {  	_ =	swait.ge [sflag:s29], $0x1  }
0xb4: {  	[sflag:s29] =	ssyncadd.s32 $0xFFFFFFFF  }
0xb5: {  	_ =	strace $0x90000048  }
0xb6: {  	_ =	sfence  }
0xb7: {  	s30 =	sld [smem:$0x0];
	_ =	sdelay $0x2  }
0xb8: {  	s31 =	sshll.u32 s1, $0xD;
	s1 =	sshrl.u32 s1, $0x2  }
0xb9: {  	s3 =	sand.u32 $0x4000, s31;
	s1 =	sadd.s32 s1, s30  }
0xba: {  	s0 =	sor.u32 s3, s0;
	s1 =	sshll.u32 s1, $0x11  }
0xbb: {  	s0 =	sor.u32 s1, s0  }
0xbc: {  	s0 =	sadd.s32 $0x8F2B, s0  }
0xbd: {  	[sflag:s0] =	ssyncadd.remote.s32 $0x1  }
0xbe: {  	_ =	sfence.sel $0xFFFF  }
0xbf: {  	[dreg:$0x0] =	wrdreg $0xFFFFFFFF;
	(pc) =	sbr.abs _section_cstart, $3  }
0xc0: {  	[dreg:$0x1] =	wrdreg $0xFFFFFFFF  }
0xc1: {  	_ =	task.clear_ibuf [dreg:s7], $0x2FFFF;
	_ =	strace $0x9FFFFFFF  }
0xc2: {  	(tm) =	ssettm $0x7FFFFFFF  }
0xc3: {  	_ =	shalt  }
tec
execute0_lowered:
.L_overlay_start_1:
0x0: {  	(tag) =	ssettag $0x1  }
0x1: {  	s0 =	stileid.u32  }
0x2: {  	s1 =	srdreg.scid;
	s22 =	smul.u32 $0x320000, s0  }
0x3: {  	s14 =	sand.u32 $0x1, s1;
	s29 =	smul.u32 $0x1900, s0  }
0x4: {  	s24 =	smul.u32 $0x190000, s14  }
0x5: {  	s31 =	sshll.u32 s0, $0x1;
	s28 =	smul.u32 $0x32000, s14  }
0x6: {  	s3 =	rddreg [dreg:$0x0];
	s8 =	sor.u32 s14, s31;
	s30 =	smul.u32 $0xC80, s14  }
0x7: {  	s15 =	rddreg [dreg:$0x1];
	s2 =	simm.s32 $0x0;
	s4 =	smul.u32 $0x32, s8  }
0x8: {  	[smem:$0x7FF] =	sst s2;
	s16 =	sadd.s32 $0x600, s3;
	s5 =	smul.u32 $0x2400, s8  }
0x9: {  	s3 =	sadd.s32 $0xF42A00, s3;
	s1 =	ssub.s32 $0x2, s14;
	s12 =	smul.u32 $0x6400, s8  }
0xa: {  	_ =	strace $0x80000047;
	s9 =	sshrl.u32 s1, $0x1;
	s20 =	smul.u32 $0x190000, s8  }
0xb: {  	s13 =	ssub.s32 s1, s9;
	s6 =	sshrl.u32 s4, $0x5;
	s5 =	sand.u32 $0x3C00, s5  }
0xc: {  	s12 =	sshrl.u32 s12, $0x3;
	s23 =	sshrl.u32 s20, $0x3;
	s20 =	smul.u32 $0x64000, s0  }
0xd: {  	s7 =	sshll.u32 s6, $0xE;
	s11 =	sor.u32 $0x200, s5;
	s17 =	sshll.u32 s6, $0x14  }
0xe: {  	s9 =	sadd.s32 s16, s12;
	s12 =	sadd.s32 s24, s22;
	s22 =	simm.s32 $0x8400  }
0xf: {  	s24 =	simm.s32 $0x5;
	s10 =	sor.u32 s5, s7;
	s7 =	sor.u32 s11, s7  }
0x10: {  	s5 =	sshll.u32 s5, $0x6;
	s6 =	sadd.s32 $0x80, s9;
	s11 =	sshll.u32 s11, $0x6  }
0x11: {  	s8 =	sadd.s32 $0xC0, s9;
	s25 =	sadd.s32 $0x18000, s12;
	s12 =	smax.u32 s13, $0x1  }
0x12: {  	s10 =	sshrl.u32 s10, $0x3;
	s18 =	sshrl.u32 s7, $0x3;
	s19 =	sor.u32 s5, s17  }
0x13: {  	s21 =	sor.u32 s17, s11;
	s17 =	sadd.s32 s15, s23;
	s26 =	sshrl.u32 s25, $0x3  }
0x14: {  	s23 =	simm.s32 $0x4;
	s25 =	simm.s32 $0x6;
	s4 =	sadd.s32 s16, s10  }
0x15: {  	s5 =	sadd.s32 s16, s18;
	s7 =	sshrl.u32 s19, $0x3;
	s18 =	smul.u32 $0x64, s0  }
0x16: {  	s9 =	sshrl.u32 s21, $0x3;
	s10 =	sadd.s32 $0x30000, s17;
	s19 =	smul.u32 $0x32, s14  }
0x17: {  	s11 =	sadd.s32 $0x31000, s17;
	s13 =	sadd.s32 s26, s15;
	s17 =	sadd.s32 s28, s20  }
0x18: {  	s20 =	simm.s32 $0x2;
	s21 =	simm.s32 $0x3;
	s26 =	simm.s32 $0x0  }
0x19: {  	s7 =	sadd.s32 s15, s7;
	s17 =	sadd.s32 $0x10002000, s17;
	s18 =	sadd.s32 s19, s18  }
0x1a: {  	s9 =	sadd.s32 s15, s9;
	s17 =	sand.u32 $0x1FFE000, s17;
	s18 =	sshll.u32 s18, $0x6  }
0x1b: {  	s19 =	simm.s32 $0x400;
	s31 =	sadd.s32 s16, s18;
	s16 =	sadd.s32 s29, s16  }
0x1c: {  	s15 =	sadd.s32 s17, s15;
	s17 =	simm.s32 $0x200;
	s16 =	sadd.s32 s30, s16  }
0x1d: {  	s18 =	simm.s32 $0x1;
	s14 =	sadd.s32 $0x140, s31;
	s16 =	sadd.s32 $0x100, s16  }
.LBB2_1:
0x1e: {  	[tilespmem:s2], [sflag:$0x1] =	stream.linear.gather [hbm4b:s4+s2], $0x200, $0x38;
	[tilespmem:$0x10400] =	vst v63  }
0x1f: {  	_ = 	snop  }
0x20: {  	[tilespmem:s17], [sflag:$0x2] =	stream.linear.gather [hbm4b:s5+s2], $0x200, $0x38;
	[tilespmem:$0x10400] =	vst v63  }
0x21: {  	_ =	swait.ge [sflag:s18], $0x200  }
0x22: {  	[sflag:s18] =	ssyncset.done $0x0  }
0x23: {  	[sflag:s18] =	ssyncadd.s32 $0xFFFFFE00  }
0x24: {  	[tilespmem:s19], [sflag:$0x3] =	stream.indirect.gather [hbm4b:s3+s17], $0x40, s2, s17, $0xb8;
	[tilespmem:$0x10400] =	vst v63  }
0x25: {  	_ =	swait.ge [sflag:s20], $0x200  }
0x26: {  	[sflag:s20] =	ssyncset.done $0x0  }
0x27: {  	[sflag:s20] =	ssyncadd.s32 $0xFFFFFE00  }
0x28: {  	_ =	swait.ge [sflag:s21], $0x8000  }
0x29: {  	[sflag:s21] =	ssyncset.done $0x0  }
0x2a: {  	[sflag:s21] =	ssyncadd.s32 $0xFFFF8000  }
0x2b: {  	[tilespmem:s22], [sflag:$0x4] =	stream.indirect.gather [hbm4b:s3+s17], $0x40, s17, s17, $0xb8;
	[tilespmem:$0x10400] =	vst v63  }
0x2c: {  	_ = 	snop  }
0x2d: {  	[tilespmem:s2], [sflag:$0x1] =	stream.linear.gather [hbm4b:s6+s2], $0x200, $0x38;
	[tilespmem:$0x10400] =	vst v63  }
0x2e: {  	_ = 	snop  }
0x2f: {  	[hbm4b:s7+s2] =	stream.linear.scatter [tilespmem:s19], [sflag:$0x5], $0x8000, $0x38;
	[tilespmem:$0x10400] =	vst v63  }
0x30: {  	_ =	swait.ge [sflag:s18], $0x200  }
0x31: {  	[sflag:s18] =	ssyncset.done $0x0  }
0x32: {  	[sflag:s18] =	ssyncadd.s32 $0xFFFFFE00  }
0x33: {  	_ =	swait.ge [sflag:s23], $0x8000  }
0x34: {  	[sflag:s23] =	ssyncset.done $0x0  }
0x35: {  	[sflag:s23] =	ssyncadd.s32 $0xFFFF8000  }
0x36: {  	[tilespmem:s19], [sflag:$0x3] =	stream.indirect.gather [hbm4b:s3+s17], $0x40, s2, s17, $0xb8;
	[tilespmem:$0x10400] =	vst v63  }
0x37: {  	_ = 	snop  }
0x38: {  	[tilespmem:s17], [sflag:$0x2] =	stream.linear.gather [hbm4b:s8+s2], $0x200, $0x38;
	[tilespmem:$0x10400] =	vst v63  }
0x39: {  	_ = 	snop  }
0x3a: {  	[hbm4b:s9+s2] =	stream.linear.scatter [tilespmem:s22], [sflag:$0x6], $0x8000, $0x38;
	[tilespmem:$0x10400] =	vst v63  }
0x3b: {  	_ =	swait.ge [sflag:s20], $0x200  }
0x3c: {  	[sflag:s20] =	ssyncset.done $0x0  }
0x3d: {  	[sflag:s20] =	ssyncadd.s32 $0xFFFFFE00  }
0x3e: {  	_ =	swait.ge [sflag:s21], $0x8000  }
0x3f: {  	[sflag:s21] =	ssyncset.done $0x0  }
0x40: {  	[sflag:s21] =	ssyncadd.s32 $0xFFFF8000  }
0x41: {  	[tilespmem:s22], [sflag:$0x4] =	stream.indirect.gather [hbm4b:s3+s17], $0x40, s17, s17, $0xb8;
	[tilespmem:$0x10400] =	vst v63  }
0x42: {  	s28 =	sadd.s32 $0x0, s16  }
0x43: {  	[tilespmem:s2], [sflag:$0x1] =	stream.linear.gather [hbm4b:s28+s2], $0x200, $0x38;
	[tilespmem:$0x10400] =	vst v63  }
0x44: {  	_ =	swait.ge [sflag:s24], $0x8000  }
0x45: {  	[sflag:s24] =	ssyncset.done $0x0  }
0x46: {  	[sflag:s24] =	ssyncadd.s32 $0xFFFF8000  }
0x47: {  	[hbm4b:s15+s2] =	stream.linear.scatter [tilespmem:s19], [sflag:$0x5], $0x8000, $0x38;
	[tilespmem:$0x10400] =	vst v63  }
0x48: {  	_ =	swait.ge [sflag:s18], $0x200  }
0x49: {  	[sflag:s18] =	ssyncset.done $0x0  }
0x4a: {  	[sflag:s18] =	ssyncadd.s32 $0xFFFFFE00  }
0x4b: {  	_ =	swait.ge [sflag:s23], $0x8000  }
0x4c: {  	[sflag:s23] =	ssyncset.done $0x0  }
0x4d: {  	[sflag:s23] =	ssyncadd.s32 $0xFFFF8000  }
0x4e: {  	[tilespmem:s19], [sflag:$0x3] =	stream.indirect.gather [hbm4b:s3+s17], $0x40, s2, s17, $0xb8;
	[tilespmem:$0x10400] =	vst v63  }
0x4f: {  	s28 =	sadd.s32 $0x0, s14  }
0x50: {  	[tilespmem:s17], [sflag:$0x2] =	stream.linear.gather [hbm4b:s28+s2], $0x200, $0x38;
	[tilespmem:$0x10400] =	vst v63  }
0x51: {  	_ =	swait.ge [sflag:s25], $0x8000  }
0x52: {  	s29 =	sadd.s32 $0x2000, s13;
	s30 =	sadd.s32 $0x2000, s15;
	[sflag:s25] =	ssyncset.done $0x0  }
0x53: {  	s31 =	smov.u32 s13;
	s28 =	simm.s32 $0x80;
	[sflag:s25] =	ssyncadd.s32 $0xFFFF8000  }
.LBB2_2:
0x54: {  	[hbm4b:s31+s2] =	stream.linear.scatter [tilespmem:s22], [sflag:$0x6], $0x8000, $0x38;
	[tilespmem:$0x10400] =	vst v63  }
0x55: {  	s1 =	smov.u32 s28;
	s31 =	smov.u32 s29  }
0x56: {  	p0 =	sne.s32 s28, $0xB00;
	s28 =	sadd.s32 $0x80, s28;
	_ =	swait.ge [sflag:s20], $0x200  }
0x57: {  	[sflag:s20] =	ssyncset.done $0x0  }
0x58: {  	[sflag:s20] =	ssyncadd.s32 $0xFFFFFE00  }
0x59: {  	_ =	swait.ge [sflag:s21], $0x8000  }
0x5a: {  	[sflag:s21] =	ssyncset.done $0x0  }
0x5b: {  	[sflag:s21] =	ssyncadd.s32 $0xFFFF8000  }
0x5c: {  	[tilespmem:s22], [sflag:$0x4] =	stream.indirect.gather [hbm4b:s3+s17], $0x40, s17, s17, $0xb8;
	[tilespmem:$0x10400] =	vst v63  }
0x5d: {  	s0 =	sadd.s32 s1, s16  }
0x5e: {  	[tilespmem:s2], [sflag:$0x1] =	stream.linear.gather [hbm4b:s0+s2], $0x200, $0x38;
	[tilespmem:$0x10400] =	vst v63  }
0x5f: {  	_ =	swait.ge [sflag:s24], $0x8000  }
0x60: {  	[sflag:s24] =	ssyncset.done $0x0  }
0x61: {  	[sflag:s24] =	ssyncadd.s32 $0xFFFF8000  }
0x62: {  	[hbm4b:s30+s2] =	stream.linear.scatter [tilespmem:s19], [sflag:$0x5], $0x8000, $0x38;
	[tilespmem:$0x10400] =	vst v63  }
0x63: {  	_ =	swait.ge [sflag:s18], $0x200  }
0x64: {  	[sflag:s18] =	ssyncset.done $0x0  }
0x65: {  	[sflag:s18] =	ssyncadd.s32 $0xFFFFFE00  }
0x66: {  	_ =	swait.ge [sflag:s23], $0x8000  }
0x67: {  	[sflag:s23] =	ssyncset.done $0x0  }
0x68: {  	[sflag:s23] =	ssyncadd.s32 $0xFFFF8000  }
0x69: {  	[tilespmem:s19], [sflag:$0x3] =	stream.indirect.gather [hbm4b:s3+s17], $0x40, s2, s17, $0xb8;
	[tilespmem:$0x10400] =	vst v63  }
.Ltmp0:
0x6a: {  	s0 =	sadd.s32 s1, s14;
	(pc) =	sbr.rel @p0 .LBB2_2-.Ltmp0, $4  }
0x6b: {  	[tilespmem:s17], [sflag:$0x2] =	stream.linear.gather [hbm4b:s0+s2], $0x200, $0x38;
	[tilespmem:$0x10400] =	vst v63  }
0x6c: {  	_ =	swait.ge [sflag:s25], $0x8000  }
0x6d: {  	[sflag:s25] =	ssyncset.done $0x0  }
0x6e: {  	s29 =	sadd.s32 $0x2000, s29;
	s30 =	sadd.s32 $0x2000, s30;
	[sflag:s25] =	ssyncadd.s32 $0xFFFF8000  }
0x6f: {  	[hbm4b:s31+s2] =	stream.linear.scatter [tilespmem:s22], [sflag:$0x6], $0x8000, $0x38;
	[tilespmem:$0x10400] =	vst v63  }
0x70: {  	_ =	swait.ge [sflag:s20], $0x200  }
0x71: {  	[sflag:s20] =	ssyncset.done $0x0  }
0x72: {  	[sflag:s20] =	ssyncadd.s32 $0xFFFFFE00  }
0x73: {  	_ =	swait.ge [sflag:s21], $0x8000  }
0x74: {  	[sflag:s21] =	ssyncset.done $0x0  }
0x75: {  	[sflag:s21] =	ssyncadd.s32 $0xFFFF8000  }
0x76: {  	[tilespmem:s22], [sflag:$0x4] =	stream.indirect.gather [hbm4b:s3+s17], $0x40, s17, s17, $0xb8;
	[tilespmem:$0x10400] =	vst v63  }
0x77: {  	_ =	swait.ge [sflag:s24], $0x8000  }
0x78: {  	[sflag:s24] =	ssyncset.done $0x0  }
0x79: {  	[sflag:s24] =	ssyncadd.s32 $0xFFFF8000  }
0x7a: {  	[hbm4b:s10+s2] =	stream.linear.scatter [tilespmem:s19], [sflag:$0x5], $0x8000, $0x38;
	[tilespmem:$0x10400] =	vst v63  }
0x7b: {  	_ =	swait.ge [sflag:s23], $0x8000  }
0x7c: {  	[sflag:s23] =	ssyncset.done $0x0  }
0x7d: {  	[sflag:s23] =	ssyncadd.s32 $0xFFFF8000  }
0x7e: {  	_ =	swait.ge [sflag:s25], $0x8000  }
0x7f: {  	[sflag:s25] =	ssyncset.done $0x0  }
0x80: {  	s26 =	sadd.s32 $0x1, s26;
	[sflag:s25] =	ssyncadd.s32 $0xFFFF8000  }
0x81: {  	[hbm4b:s11+s2] =	stream.linear.scatter [tilespmem:s22], [sflag:$0x6], $0x8000, $0x38;
	[tilespmem:$0x10400] =	vst v63  }
0x82: {  	p0 =	sne.s32 s26, s12;
	_ =	swait.ge [sflag:s25], $0x8000  }
.Ltmp1:
0x83: {  	[sflag:s25] =	ssyncset.done $0x0;
	(pc) =	sbr.rel @p0 .LBB2_1-.Ltmp1, $4  }
0x84: {  	[sflag:s25] =	ssyncadd.s32 $0xFFFF8000  }
0x85: {  	_ =	swait.ge [sflag:s24], $0x8000  }
0x86: {  	[sflag:s24] =	ssyncset.done $0x0  }
0x87: {  	[sflag:s24] =	ssyncadd.s32 $0xFFFF8000  }
0x88: {  	_ =	sfence.sel $0x180000  }
0x89: {  	[bflag:$0x0] =	sbarrier.arrive $0xFFFF  }
0x8a: {  	_ =	strace $0x90000047  }
0x8b: {  	s0 =	stileid.u32;
	[bflag:$0x2] =	sbarrier.arrive $0xFFFF  }
0x8c: {  	p0 =	sne.s32 s0, $0x0;
	s0 =	rddreg [dreg:$0x2]  }
0x8d: {  	s0 =	sadd.s32 @!p0 $0x100000, s0  }
0x8e: {  	[sflag:s0] =	ssyncadd.tile.s32 @!p0 $0x1;
	_ =	shalt  }
.Lfunc_end2:
_tile_overlayer_lowered:
.L_overlay_start_2:
0x8f: {  	(tag) =	ssettag $0x2  }
0x90: {  	s0 =	rddreg [dreg:$0x0];
	s2 =	stileid.u32  }
0x91: {  	s1 =	rddreg [dreg:$0x1];
	p0 =	sne.s32 s2, $0x0  }
0x92: {  	s3 =	rddreg [dreg:$0x2];
	[bflag:$0x3] =	sbarrier.arrive $0xFFFF;
	s2 =	simm.s32 @!p0 $0x1C07  }
0x93: {  	[timem:s3], [sflag:s2] =	dma.local @!p0 [hbm:s0], s1  }
0x94: {  	s0 =	simm.s32 @!p0 $0x7  }
0x95: {  	_ =	swait.ge @!p0 [sflag:s0], s1  }
0x96: {  	s1 =	ssub.s32 @!p0 $0x0, s1;
	[sflag:s0] =	ssyncset.done @!p0 $0x0  }
0x97: {  	[sflag:s0] =	ssyncadd.s32 @!p0 s1  }
0x98: {  	[bflag:$0x3] =	sbarrier.arrive $0xFFFF  }
0x99: {  	_ =	shalt  }

</sc_bundles>
